<compile_context>
chip_gen: v7x
topology: tpu7x:2x2x1
jax: 0.10.2.dev20260603
libtpu: 0.0.44.dev20260713+nightly
codegen_flags: <defaults>
</compile_context>

<pallas_src>
import functools

import jax
import jax.numpy as jnp
from jax import lax
from jax.experimental import pallas as pl
from jax.experimental.pallas import tpu as pltpu
from jax.experimental.pallas import tpu_sc as plsc

N = 10000
E = 320000
D = 128

NPAD = 10240
NC, NS, L = 2, 16, 16
NW = NC * NS
KJ = 79
EPW = KJ * 128
EPAD = NW * EPW

ROW_BLK = 2048


def _stage_a_body(x_ref, w1t_ref, b1_ref, w2_ref, s_ref):
    h = jnp.dot(x_ref[...], w1t_ref[...], preferred_element_type=jnp.float32)
    h = jnp.sin(h + b1_ref[...])
    s = jnp.sum(h * w2_ref[...], axis=1)
    s_ref[...] = s.reshape(ROW_BLK // 128, 128)


def _stage_a(x_pad, w1t, b1, w2):
    grid = NPAD // ROW_BLK
    return pl.pallas_call(
        _stage_a_body,
        grid=(grid,),
        in_specs=[
            pl.BlockSpec((ROW_BLK, 2 * D), lambda i: (i, 0)),
            pl.BlockSpec((2 * D, D), lambda i: (0, 0)),
            pl.BlockSpec((1, D), lambda i: (0, 0)),
            pl.BlockSpec((1, D), lambda i: (0, 0)),
        ],
        out_specs=pl.BlockSpec((ROW_BLK // 128, 128), lambda i: (i, 0)),
        out_shape=jax.ShapeDtypeStruct((NPAD // 128, 128), jnp.float32),
    )(x_pad, w1t, b1, w2)


def _stage_b_body(s_hbm, col_hbm, row_hbm, w_hbm, out_hbm,
                  s_v, col_v, row2d, w_v, vals, zbuf, t_sh):
    cid = lax.axis_index("c")
    sid = lax.axis_index("s")
    wid = cid * NS + sid
    npt = NPAD // NS

    def zero_body(i, _):
        zbuf[pl.ds(i * L, L)] = jnp.zeros((L,), jnp.float32)
        return 0
    lax.fori_loop(0, npt // L, zero_body, 0)
    pltpu.sync_copy(zbuf, t_sh.at[pl.ds(sid * npt, npt)])

    pltpu.sync_copy(s_hbm, s_v)
    pltpu.sync_copy(col_hbm.at[pl.ds(wid * EPW, EPW)], col_v)
    pltpu.sync_copy(w_hbm.at[pl.ds(wid * EPW, EPW)], w_v)
    pltpu.sync_copy(row_hbm.at[wid], row2d)

    def gather_body(i, _):
        idx = col_v[pl.ds(i * L, L)]
        g = plsc.load_gather(s_v, [idx])
        vals[pl.ds(i * L, L)] = g * w_v[pl.ds(i * L, L)]
        return 0
    lax.fori_loop(0, EPW // L, gather_body, 0)

    plsc.subcore_barrier()

    def scat_body(j, _):
        pltpu.sync_copy(vals.at[pl.ds(j * 128, 128)],
                        t_sh.at[row2d.at[j]], add=True)
        return 0
    lax.fori_loop(0, KJ, scat_body, 0)

    plsc.subcore_barrier()

    pltpu.sync_copy(t_sh.at[pl.ds(sid * npt, npt)],
                    out_hbm.at[cid, pl.ds(sid * npt, npt)])


def _stage_b(s_flat, col_p, row3d, w_p):
    mesh = plsc.VectorSubcoreMesh(core_axis_name="c", subcore_axis_name="s")
    kern = pl.kernel(
        _stage_b_body,
        out_type=jax.ShapeDtypeStruct((NC, NPAD), jnp.float32),
        mesh=mesh,
        compiler_params=pltpu.CompilerParams(needs_layout_passes=False),
        scratch_types=[
            pltpu.VMEM((NPAD,), jnp.float32),
            pltpu.VMEM((EPW,), jnp.int32),
            pltpu.VMEM((KJ, 128), jnp.int32),
            pltpu.VMEM((EPW,), jnp.float32),
            pltpu.VMEM((EPW,), jnp.float32),
            pltpu.VMEM((NPAD // NS,), jnp.float32),
            pltpu.VMEM_SHARED((NPAD,), jnp.float32),
        ],
    )
    return kern(s_flat, col_p, row3d, w_p)


def _stage_c_body(part_ref, b2_ref, o_ref):
    p = part_ref[...]
    t = p[0:1, :] + p[1:2, :]
    out2 = jnp.sin(t + b2_ref[0, 0])
    msk = lax.broadcasted_iota(jnp.int32, (1, NPAD), 1) < N
    sq = jnp.where(msk, out2 * out2, 0.0)
    o_ref[...] = jnp.sqrt(jnp.sum(sq)).reshape(1, 1)


def _stage_c(part, b2):
    return pl.pallas_call(
        _stage_c_body,
        out_shape=jax.ShapeDtypeStruct((1, 1), jnp.float32),
    )(part, b2.reshape(1, 1))


@jax.jit
def kernel(x, edge_index, edge_weight, W1, b1, W2, b2):
    x_pad = jnp.pad(x, ((0, NPAD - N), (0, 0)))
    s2d = _stage_a(x_pad, W1.T, b1.reshape(1, D), W2.reshape(1, D))
    s_flat = s2d.reshape(NPAD)

    row = edge_index[0].astype(jnp.int32)
    col = edge_index[1].astype(jnp.int32)
    pad = EPAD - E
    row3d = jnp.pad(row, (0, pad)).reshape(NW, KJ, 128)
    col_p = jnp.pad(col, (0, pad))
    w_p = jnp.pad(edge_weight, (0, pad))

    part = _stage_b(s_flat, col_p, row3d, w_p)
    out = _stage_c(part, b2)
    return out.reshape(1)

# --- scband reference (transcript-rebuilt; emitter-appended) ---
"""Pipeline reference for scband-linear-h-48069273977167 (READ-ONLY COPY).

The authoritative reference and input builder live on the scoring server;
editing this copy changes nothing except your own understanding.
"""

import jax, jax.numpy as jnp
import numpy as np

N = 10000
E = 320000
D = 128

def setup_inputs(seed: int = 0) -> dict:
    key = jax.random.key(seed)
    k_x, k_ei, k_ew, k_w1, k_b1, k_w2, k_b2 = jax.random.split(key, 7)
    x = jax.random.normal(k_x, (N, 2 * D), dtype=jnp.float32)
    edge_index = jax.random.randint(k_ei, (2, E), 0, N, dtype=jnp.int64)
    edge_weight = jax.random.uniform(k_ew, (E,), dtype=jnp.float32)
    # nn.Linear(2*D, D): weight [D, 2*D], bias [D]
    W1 = jax.random.normal(k_w1, (D, 2 * D), dtype=jnp.float32) * (1.0 / np.sqrt(2 * D))
    b1 = jax.random.normal(k_b1, (D,), dtype=jnp.float32) * 0.01
    # nn.Linear(D, 1): weight [1, D], bias [1]
    W2 = jax.random.normal(k_w2, (1, D), dtype=jnp.float32) * (1.0 / np.sqrt(D))
    b2 = jax.random.normal(k_b2, (1,), dtype=jnp.float32) * 0.01
    return {"x": x, "edge_index": edge_index, "edge_weight": edge_weight,
            "W1": W1, "b1": b1, "W2": W2, "b2": b2}

def reference(x, edge_index, edge_weight, W1, b1, W2, b2):
    # layer1 + sin
    out = jnp.sin(x @ W1.T + b1)
    # torch_sparse.spmm(edge_index, edge_weight, N, N, out):
    # result[row, :] += weight * out[col, :], rows=edge_index[0], cols=edge_index[1]
    gathered = jnp.take(out, edge_index[1], axis=0) * edge_weight[:, None]
    agg = jax.ops.segment_sum(gathered, edge_index[0], num_segments=x.shape[0])
    # layer2 + sin
    out2 = jnp.sin(agg @ W2.T + b2)
    # torch.norm(out2, dim=0) -> shape [1]
    return jnp.sqrt(jnp.sum(out2 * out2, axis=0))

if __name__ == "__main__":
    import jax
    _d = setup_inputs()
    print(jax.jit(kernel)(*tuple(_d.values())))

</pallas_src>

<mosaic_0001>
#map = affine_map<(d0, d1) -> (0)>
#map1 = affine_map<(d0, d1) -> (0, 0, 0)>
#map2 = affine_map<(d0, d1) -> (0, 0)>
module attributes {stable_mosaic.version = 14 : i64} {
  func.func @_stage_b_body(%arg0: i32, %arg1: i32, %arg2: memref<10240xf32, #tpu.memory_space<hbm>>, %arg3: memref<323584xi32, #tpu.memory_space<hbm>>, %arg4: memref<32x79x128xi32, #tpu.memory_space<hbm>>, %arg5: memref<323584xf32, #tpu.memory_space<hbm>>, %arg6: memref<2x10240xf32, #tpu.memory_space<hbm>>, %arg7: memref<10240xf32, #tpu.memory_space<vmem>>, %arg8: memref<10112xi32, #tpu.memory_space<vmem>>, %arg9: memref<79x128xi32, #tpu.memory_space<vmem>>, %arg10: memref<10112xf32, #tpu.memory_space<vmem>>, %arg11: memref<10112xf32, #tpu.memory_space<vmem>>, %arg12: memref<640xf32, #tpu.memory_space<vmem>>, %arg13: memref<10240xf32, #tpu.memory_space<vmem_shared>>) attributes {dimension_semantics = [#tpu.dimension_semantics<core_parallel>, #tpu.dimension_semantics<subcore_parallel>], iteration_bounds = array<i64: 2, 16>, scalar_prefetch = 0 : i64, scratch_operands = 7 : i64, tpu.core_type = #tpu.core_type<sc_vector_subcore>, window_params = [{transform_indices = #map}, {transform_indices = #map}, {transform_indices = #map1}, {transform_indices = #map}, {transform_indices = #map2}]} {
    %mul3A = arith.constant 16 : i32
    %mul3A_0 = arith.muli %arg0, %mul3A : i32
    %add3A = arith.addi %mul3A_0, %arg1 : i32
    %scan3A = arith.constant 0 : i32
    %scan3A_1 = arith.constant 0 : i32
    %scan3A_2 = arith.constant 40 : i32
    %scan3A_3 = arith.addi %scan3A_1, %scan3A_2 : i32
    %scan3A_4 = arith.constant 1 : i32
    %scan3A_5 = scf.for %scan3A_32 = %scan3A_1 to %scan3A_3 step %scan3A_4 iter_args(%scan3A_33 = %scan3A) -> (i32)  : i32 {
      %broadcast_in_dim3A = arith.constant 0.000000e+00 : f32
      %broadcast_in_dim3A_34 = vector.broadcast %broadcast_in_dim3A : f32 to vector<16xf32>
      %mul3A_35 = arith.constant 16 : i32
      %mul3A_36 = arith.muli %scan3A_32, %mul3A_35 : i32
      %swap3A = arith.index_cast %mul3A_36 : i32 to index
      %swap3A_37 = tpu.vector_load %arg12[%swap3A] {strides = array<i32>} : memref<640xf32, #tpu.memory_space<vmem>>, vector<16xf32>,
      tpu.vector_store %arg12[%swap3A], %broadcast_in_dim3A_34 {strides = array<i32>} : memref<640xf32, #tpu.memory_space<vmem>>, vector<16xf32>,
      %scan3A_38 = arith.constant 0 : i32
      scf.yield %scan3A_38 : i32
    }
    %scan3A_6 = arith.constant 40 : i32
    %mul3A_7 = arith.constant 640 : i32
    %mul3A_8 = arith.muli %arg1, %mul3A_7 : i32
    "tpu.region"() ({
      %run_scoped3A = tpu.sem_alloc : memref<!tpu.dma_semaphore, #tpu.memory_space<semaphore_mem>>
      %dma_start3A = tpu.memref_slice %arg13[%mul3A_8] : memref<10240xf32, #tpu.memory_space<vmem_shared>> -> memref<640xf32, #tpu.memory_space<vmem_shared>>
      %dma_start3A_32 = tpu.memref_slice %arg13[%mul3A_8] : memref<10240xf32, #tpu.memory_space<vmem_shared>> -> memref<640xf32, #tpu.memory_space<vmem_shared>>
      tpu.enqueue_dma source(%arg12 : memref<640xf32, #tpu.memory_space<vmem>>) target(%dma_start3A_32 : memref<640xf32, #tpu.memory_space<vmem_shared>>) target_semaphore(%run_scoped3A : memref<!tpu.dma_semaphore, #tpu.memory_space<semaphore_mem>>)
      %dma_wait3A = tpu.memref_slice %arg13[%mul3A_8] : memref<10240xf32, #tpu.memory_space<vmem_shared>> -> memref<640xf32, #tpu.memory_space<vmem_shared>>
      %dma_wait3A_33 = tpu.memref_slice %arg13[%mul3A_8] : memref<10240xf32, #tpu.memory_space<vmem_shared>> -> memref<640xf32, #tpu.memory_space<vmem_shared>>
      tpu.wait_dma2 semaphore(%run_scoped3A : memref<!tpu.dma_semaphore, #tpu.memory_space<semaphore_mem>>) src(%arg12 : memref<640xf32, #tpu.memory_space<vmem>>) dst(%dma_wait3A_33 : memref<640xf32, #tpu.memory_space<vmem_shared>>)
      tpu.yield
    }) : () -> ()
    "tpu.region"() ({
      %run_scoped3A = tpu.sem_alloc : memref<!tpu.dma_semaphore, #tpu.memory_space<semaphore_mem>>
      tpu.enqueue_dma source(%arg2 : memref<10240xf32, #tpu.memory_space<hbm>>) target(%arg7 : memref<10240xf32, #tpu.memory_space<vmem>>) target_semaphore(%run_scoped3A : memref<!tpu.dma_semaphore, #tpu.memory_space<semaphore_mem>>)
      tpu.wait_dma2 semaphore(%run_scoped3A : memref<!tpu.dma_semaphore, #tpu.memory_space<semaphore_mem>>) src(%arg2 : memref<10240xf32, #tpu.memory_space<hbm>>) dst(%arg7 : memref<10240xf32, #tpu.memory_space<vmem>>)
      tpu.yield
    }) : () -> ()
    %mul3A_9 = arith.constant 10112 : i32
    %mul3A_10 = arith.muli %add3A, %mul3A_9 : i32
    "tpu.region"() ({
      %run_scoped3A = tpu.sem_alloc : memref<!tpu.dma_semaphore, #tpu.memory_space<semaphore_mem>>
      %dma_start3A = tpu.memref_slice %arg3[%mul3A_10] : memref<323584xi32, #tpu.memory_space<hbm>> -> memref<10112xi32, #tpu.memory_space<hbm>>
      %dma_start3A_32 = tpu.memref_slice %arg3[%mul3A_10] : memref<323584xi32, #tpu.memory_space<hbm>> -> memref<10112xi32, #tpu.memory_space<hbm>>
      tpu.enqueue_dma source(%dma_start3A_32 : memref<10112xi32, #tpu.memory_space<hbm>>) target(%arg8 : memref<10112xi32, #tpu.memory_space<vmem>>) target_semaphore(%run_scoped3A : memref<!tpu.dma_semaphore, #tpu.memory_space<semaphore_mem>>)
      %dma_wait3A = tpu.memref_slice %arg3[%mul3A_10] : memref<323584xi32, #tpu.memory_space<hbm>> -> memref<10112xi32, #tpu.memory_space<hbm>>
      %dma_wait3A_33 = tpu.memref_slice %arg3[%mul3A_10] : memref<323584xi32, #tpu.memory_space<hbm>> -> memref<10112xi32, #tpu.memory_space<hbm>>
      tpu.wait_dma2 semaphore(%run_scoped3A : memref<!tpu.dma_semaphore, #tpu.memory_space<semaphore_mem>>) src(%dma_wait3A_33 : memref<10112xi32, #tpu.memory_space<hbm>>) dst(%arg8 : memref<10112xi32, #tpu.memory_space<vmem>>)
      tpu.yield
    }) : () -> ()
    %mul3A_11 = arith.constant 10112 : i32
    %mul3A_12 = arith.muli %add3A, %mul3A_11 : i32
    "tpu.region"() ({
      %run_scoped3A = tpu.sem_alloc : memref<!tpu.dma_semaphore, #tpu.memory_space<semaphore_mem>>
      %dma_start3A = tpu.memref_slice %arg5[%mul3A_12] : memref<323584xf32, #tpu.memory_space<hbm>> -> memref<10112xf32, #tpu.memory_space<hbm>>
      %dma_start3A_32 = tpu.memref_slice %arg5[%mul3A_12] : memref<323584xf32, #tpu.memory_space<hbm>> -> memref<10112xf32, #tpu.memory_space<hbm>>
      tpu.enqueue_dma source(%dma_start3A_32 : memref<10112xf32, #tpu.memory_space<hbm>>) target(%arg10 : memref<10112xf32, #tpu.memory_space<vmem>>) target_semaphore(%run_scoped3A : memref<!tpu.dma_semaphore, #tpu.memory_space<semaphore_mem>>)
      %dma_wait3A = tpu.memref_slice %arg5[%mul3A_12] : memref<323584xf32, #tpu.memory_space<hbm>> -> memref<10112xf32, #tpu.memory_space<hbm>>
      %dma_wait3A_33 = tpu.memref_slice %arg5[%mul3A_12] : memref<323584xf32, #tpu.memory_space<hbm>> -> memref<10112xf32, #tpu.memory_space<hbm>>
      tpu.wait_dma2 semaphore(%run_scoped3A : memref<!tpu.dma_semaphore, #tpu.memory_space<semaphore_mem>>) src(%dma_wait3A_33 : memref<10112xf32, #tpu.memory_space<hbm>>) dst(%arg10 : memref<10112xf32, #tpu.memory_space<vmem>>)
      tpu.yield
    }) : () -> ()
    "tpu.region"() ({
      %run_scoped3A = tpu.sem_alloc : memref<!tpu.dma_semaphore, #tpu.memory_space<semaphore_mem>>
      %dma_start3A = arith.constant 0 : i32
      %dma_start3A_32 = arith.constant 0 : i32
      %dma_start3A_33 = tpu.memref_slice %arg4[%add3A, %dma_start3A, %dma_start3A_32] : memref<32x79x128xi32, #tpu.memory_space<hbm>> -> memref<1x79x128xi32, #tpu.memory_space<hbm>>
      %dma_start3A_34 = tpu.memref_squeeze %dma_start3A_33 : memref<1x79x128xi32, #tpu.memory_space<hbm>> -> memref<79x128xi32, #tpu.memory_space<hbm>>
      %dma_start3A_35 = arith.constant 0 : i32
      %dma_start3A_36 = arith.constant 0 : i32
      %dma_start3A_37 = tpu.memref_slice %arg4[%add3A, %dma_start3A_35, %dma_start3A_36] : memref<32x79x128xi32, #tpu.memory_space<hbm>> -> memref<1x79x128xi32, #tpu.memory_space<hbm>>
      %dma_start3A_38 = tpu.memref_squeeze %dma_start3A_37 : memref<1x79x128xi32, #tpu.memory_space<hbm>> -> memref<79x128xi32, #tpu.memory_space<hbm>>
      tpu.enqueue_dma source(%dma_start3A_38 : memref<79x128xi32, #tpu.memory_space<hbm>>) target(%arg9 : memref<79x128xi32, #tpu.memory_space<vmem>>) target_semaphore(%run_scoped3A : memref<!tpu.dma_semaphore, #tpu.memory_space<semaphore_mem>>)
      %dma_wait3A = arith.constant 0 : i32
      %dma_wait3A_39 = arith.constant 0 : i32
      %dma_wait3A_40 = tpu.memref_slice %arg4[%add3A, %dma_wait3A, %dma_wait3A_39] : memref<32x79x128xi32, #tpu.memory_space<hbm>> -> memref<1x79x128xi32, #tpu.memory_space<hbm>>
      %dma_wait3A_41 = tpu.memref_squeeze %dma_wait3A_40 : memref<1x79x128xi32, #tpu.memory_space<hbm>> -> memref<79x128xi32, #tpu.memory_space<hbm>>
      %dma_wait3A_42 = arith.constant 0 : i32
      %dma_wait3A_43 = arith.constant 0 : i32
      %dma_wait3A_44 = tpu.memref_slice %arg4[%add3A, %dma_wait3A_42, %dma_wait3A_43] : memref<32x79x128xi32, #tpu.memory_space<hbm>> -> memref<1x79x128xi32, #tpu.memory_space<hbm>>
      %dma_wait3A_45 = tpu.memref_squeeze %dma_wait3A_44 : memref<1x79x128xi32, #tpu.memory_space<hbm>> -> memref<79x128xi32, #tpu.memory_space<hbm>>
      tpu.wait_dma2 semaphore(%run_scoped3A : memref<!tpu.dma_semaphore, #tpu.memory_space<semaphore_mem>>) src(%dma_wait3A_45 : memref<79x128xi32, #tpu.memory_space<hbm>>) dst(%arg9 : memref<79x128xi32, #tpu.memory_space<vmem>>)
      tpu.yield
    }) : () -> ()
    %scan3A_13 = arith.constant 0 : i32
    %scan3A_14 = arith.constant 0 : i32
    %scan3A_15 = arith.constant 632 : i32
    %scan3A_16 = arith.addi %scan3A_14, %scan3A_15 : i32
    %scan3A_17 = arith.constant 1 : i32
    %scan3A_18 = scf.for %scan3A_32 = %scan3A_14 to %scan3A_16 step %scan3A_17 iter_args(%scan3A_33 = %scan3A_13) -> (i32)  : i32 {
      %mul3A_34 = arith.constant 16 : i32
      %mul3A_35 = arith.muli %scan3A_32, %mul3A_34 : i32
      %get3A = arith.index_cast %mul3A_35 : i32 to index
      %get3A_36 = tpu.vector_load %arg8[%get3A] {strides = array<i32>} : memref<10112xi32, #tpu.memory_space<vmem>>, vector<16xi32>,
      %gather3A = tpu.vector_load_idx %arg7[%get3A_36] : memref<10240xf32, #tpu.memory_space<vmem>>[vector<16xi32>], vector<16xf32>,
      %mul3A_37 = arith.constant 16 : i32
      %mul3A_38 = arith.muli %scan3A_32, %mul3A_37 : i32
      %get3A_39 = arith.index_cast %mul3A_38 : i32 to index
      %get3A_40 = tpu.vector_load %arg10[%get3A_39] {strides = array<i32>} : memref<10112xf32, #tpu.memory_space<vmem>>, vector<16xf32>,
      %mul3A_41 = arith.mulf %gather3A, %get3A_40 : vector<16xf32>
      %mul3A_42 = arith.constant 16 : i32
      %mul3A_43 = arith.muli %scan3A_32, %mul3A_42 : i32
      %swap3A = arith.index_cast %mul3A_43 : i32 to index
      %swap3A_44 = tpu.vector_load %arg11[%swap3A] {strides = array<i32>} : memref<10112xf32, #tpu.memory_space<vmem>>, vector<16xf32>,
      tpu.vector_store %arg11[%swap3A], %mul3A_41 {strides = array<i32>} : memref<10112xf32, #tpu.memory_space<vmem>>, vector<16xf32>,
      %scan3A_45 = arith.constant 0 : i32
      scf.yield %scan3A_45 : i32
    }
    %scan3A_19 = arith.constant 632 : i32
    %barrier3A = arith.constant 0 : index
    tpu.barrier barrier_id(%barrier3A)
    %scan3A_20 = arith.constant 0 : i32
    %scan3A_21 = arith.constant 0 : i32
    %scan3A_22 = arith.constant 79 : i32
    %scan3A_23 = arith.addi %scan3A_21, %scan3A_22 : i32
    %scan3A_24 = arith.constant 1 : i32
    %scan3A_25 = scf.for %scan3A_32 = %scan3A_21 to %scan3A_23 step %scan3A_24 iter_args(%scan3A_33 = %scan3A_20) -> (i32)  : i32 {
      %mul3A_34 = arith.constant 128 : i32
      %mul3A_35 = arith.muli %scan3A_32, %mul3A_34 : i32
      "tpu.region"() ({
        %run_scoped3A = tpu.sem_alloc : memref<!tpu.dma_semaphore, #tpu.memory_space<semaphore_mem>>
        %dma_start3A = tpu.memref_slice %arg11[%mul3A_35] : memref<10112xf32, #tpu.memory_space<vmem>> -> memref<128xf32, #tpu.memory_space<vmem>>
        %dma_start3A_37 = arith.constant 0 : i32
        %dma_start3A_38 = tpu.memref_slice %arg9[%scan3A_32, %dma_start3A_37] : memref<79x128xi32, #tpu.memory_space<vmem>> -> memref<1x128xi32, #tpu.memory_space<vmem>>
        %dma_start3A_39 = tpu.memref_squeeze %dma_start3A_38 : memref<1x128xi32, #tpu.memory_space<vmem>> -> memref<128xi32, #tpu.memory_space<vmem>>
        %dma_start3A_40 = arith.constant 0 : i32
        %dma_start3A_41 = tpu.memref_slice %arg13[%dma_start3A_40] : memref<10240xf32, #tpu.memory_space<vmem_shared>> -> memref<10240xf32, #tpu.memory_space<vmem_shared>>
        tpu.enqueue_indirect_dma source(%dma_start3A : memref<128xf32, #tpu.memory_space<vmem>>) target(%dma_start3A_41 : memref<10240xf32, #tpu.memory_space<vmem_shared>>) offsets(%dma_start3A_39 : memref<128xi32, #tpu.memory_space<vmem>>) semaphore(%run_scoped3A : memref<!tpu.dma_semaphore, #tpu.memory_space<semaphore_mem>>) {add = true}
        %dma_wait3A = tpu.memref_slice %arg11[%mul3A_35] : memref<10112xf32, #tpu.memory_space<vmem>> -> memref<128xf32, #tpu.memory_space<vmem>>
        %dma_wait3A_42 = arith.constant 0 : i32
        %dma_wait3A_43 = tpu.memref_slice %arg9[%scan3A_32, %dma_wait3A_42] : memref<79x128xi32, #tpu.memory_space<vmem>> -> memref<1x128xi32, #tpu.memory_space<vmem>>
        %dma_wait3A_44 = tpu.memref_squeeze %dma_wait3A_43 : memref<1x128xi32, #tpu.memory_space<vmem>> -> memref<128xi32, #tpu.memory_space<vmem>>
        %dma_wait3A_45 = arith.constant 0 : i32
        %dma_wait3A_46 = tpu.memref_slice %arg13[%dma_wait3A_45] : memref<10240xf32, #tpu.memory_space<vmem_shared>> -> memref<10240xf32, #tpu.memory_space<vmem_shared>>
        tpu.wait_indirect_dma semaphore(%run_scoped3A : memref<!tpu.dma_semaphore, #tpu.memory_space<semaphore_mem>>) src(%dma_wait3A : memref<128xf32, #tpu.memory_space<vmem>>) dst(%dma_wait3A_46 : memref<10240xf32, #tpu.memory_space<vmem_shared>>)
        tpu.yield
      }) : () -> ()
      %scan3A_36 = arith.constant 0 : i32
      scf.yield %scan3A_36 : i32
    }
    %scan3A_26 = arith.constant 79 : i32
    %barrier3A_27 = arith.constant 0 : index
    tpu.barrier barrier_id(%barrier3A_27)
    %mul3A_28 = arith.constant 640 : i32
    %mul3A_29 = arith.muli %arg1, %mul3A_28 : i32
    %mul3A_30 = arith.constant 640 : i32
    %mul3A_31 = arith.muli %arg1, %mul3A_30 : i32
    "tpu.region"() ({
      %run_scoped3A = tpu.sem_alloc : memref<!tpu.dma_semaphore, #tpu.memory_space<semaphore_mem>>
      %dma_start3A = tpu.memref_slice %arg6[%arg0, %mul3A_31] : memref<2x10240xf32, #tpu.memory_space<hbm>> -> memref<1x640xf32, #tpu.memory_space<hbm>>
      %dma_start3A_32 = tpu.memref_squeeze %dma_start3A : memref<1x640xf32, #tpu.memory_space<hbm>> -> memref<640xf32, #tpu.memory_space<hbm>>
      %dma_start3A_33 = tpu.memref_slice %arg13[%mul3A_29] : memref<10240xf32, #tpu.memory_space<vmem_shared>> -> memref<640xf32, #tpu.memory_space<vmem_shared>>
      tpu.enqueue_dma source(%dma_start3A_33 : memref<640xf32, #tpu.memory_space<vmem_shared>>) target(%dma_start3A_32 : memref<640xf32, #tpu.memory_space<hbm>>) target_semaphore(%run_scoped3A : memref<!tpu.dma_semaphore, #tpu.memory_space<semaphore_mem>>)
      %dma_wait3A = tpu.memref_slice %arg6[%arg0, %mul3A_31] : memref<2x10240xf32, #tpu.memory_space<hbm>> -> memref<1x640xf32, #tpu.memory_space<hbm>>
      %dma_wait3A_34 = tpu.memref_squeeze %dma_wait3A : memref<1x640xf32, #tpu.memory_space<hbm>> -> memref<640xf32, #tpu.memory_space<hbm>>
      %dma_wait3A_35 = tpu.memref_slice %arg13[%mul3A_29] : memref<10240xf32, #tpu.memory_space<vmem_shared>> -> memref<640xf32, #tpu.memory_space<vmem_shared>>
      tpu.wait_dma2 semaphore(%run_scoped3A : memref<!tpu.dma_semaphore, #tpu.memory_space<semaphore_mem>>) src(%dma_wait3A_35 : memref<640xf32, #tpu.memory_space<vmem_shared>>) dst(%dma_wait3A_34 : memref<640xf32, #tpu.memory_space<hbm>>)
      tpu.yield
    }) : () -> ()
    return
  }
}

module attributes {stable_mosaic.version = 14 : i64} {
  func.func @_stage_a_body(%arg0: i32, %arg1: memref<2048x256xf32, #tpu.memory_space<vmem>>, %arg2: memref<256x128xf32, #tpu.memory_space<vmem>>, %arg3: memref<1x128xf32, #tpu.memory_space<vmem>>, %arg4: memref<1x128xf32, #tpu.memory_space<vmem>>, %arg5: memref<16x128xf32, #tpu.memory_space<vmem>>) attributes {dimension_semantics = [#tpu.dimension_semantics<arbitrary>], iteration_bounds = array<i64: 5>, scalar_prefetch = 0 : i64, scratch_operands = 0 : i64, tpu.core_type = #tpu.core_type<tc>, window_params = [{transform_indices = @transform_0, window_bounds = array<i64: 2048, 256>}, {pipeline_mode = #tpu.pipeline_mode<synchronous>, transform_indices = @transform_1, window_bounds = array<i64: 256, 128>}, {pipeline_mode = #tpu.pipeline_mode<synchronous>, transform_indices = @transform_2, window_bounds = array<i64: 1, 128>}, {pipeline_mode = #tpu.pipeline_mode<synchronous>, transform_indices = @transform_3, window_bounds = array<i64: 1, 128>}, {transform_indices = @transform_4, window_bounds = array<i64: 16, 128>}]} {
    %get3A = arith.constant 0 : index
    %get3A_0 = arith.constant 0 : index
    %get3A_1 = vector.load %arg1[%get3A, %get3A_0] : memref<2048x256xf32, #tpu.memory_space<vmem>>, vector<2048x256xf32>
    %get3A_2 = arith.constant 0 : index
    %get3A_3 = arith.constant 0 : index
    %get3A_4 = vector.load %arg2[%get3A_2, %get3A_3] : memref<256x128xf32, #tpu.memory_space<vmem>>, vector<256x128xf32>
    %dot_general3A = arith.constant dense<0.000000e+00> : vector<2048x128xf32>
    %dot_general3A_5 = tpu.matmul %get3A_1, %get3A_4, %dot_general3A {dimension_numbers = #tpu.dot_dimension_numbers<[1], [0], [0], [1], [0, 0, 1, 1], [], []>, transpose_lhs_hint = false} : vector<2048x256xf32>, vector<256x128xf32>, vector<2048x128xf32> -> vector<2048x128xf32>
    %get3A_6 = arith.constant 0 : index
    %get3A_7 = arith.constant 0 : index
    %get3A_8 = vector.load %arg3[%get3A_6, %get3A_7] : memref<1x128xf32, #tpu.memory_space<vmem>>, vector<1x128xf32>
    %add3A = vector.broadcast %get3A_8 : vector<1x128xf32> to vector<2048x128xf32>
    %add3A_9 = arith.addf %dot_general3A_5, %add3A : vector<2048x128xf32>
    %sin3A = math.sin %add3A_9 : vector<2048x128xf32>
    %get3A_10 = arith.constant 0 : index
    %get3A_11 = arith.constant 0 : index
    %get3A_12 = vector.load %arg4[%get3A_10, %get3A_11] : memref<1x128xf32, #tpu.memory_space<vmem>>, vector<1x128xf32>
    %mul3A = vector.broadcast %get3A_12 : vector<1x128xf32> to vector<2048x128xf32>
    %mul3A_13 = arith.mulf %sin3A, %mul3A : vector<2048x128xf32>
    %reduce_sum3A = arith.constant dense<0.000000e+00> : vector<2048xf32>
    %reduce_sum3A_14 = vector.multi_reduction <add>, %mul3A_13, %reduce_sum3A [1] : vector<2048x128xf32> to vector<2048xf32>
    %reshape3A = vector.shape_cast %reduce_sum3A_14 : vector<2048xf32> to vector<16x128xf32>
    %swap3A = arith.constant 0 : index
    %swap3A_15 = arith.constant 0 : index
    %swap3A_16 = vector.load %arg5[%swap3A, %swap3A_15] : memref<16x128xf32, #tpu.memory_space<vmem>>, vector<16x128xf32>
    tpu.vector_store %arg5[%swap3A, %swap3A_15], %reshape3A {strides = array<i32>} : memref<16x128xf32, #tpu.memory_space<vmem>>, vector<16x128xf32>,
    return
  }
  func.func @transform_0(%arg0: i32) -> (i32, i32) {
    %c0_i32 = arith.constant 0 : i32
    %c0_i32_0 = arith.constant 0 : i32
    return %arg0, %c0_i32 : i32, i32
  }
  func.func @transform_1(%arg0: i32) -> (i32, i32) {
    %c0_i32 = arith.constant 0 : i32
    %c0_i32_0 = arith.constant 0 : i32
    %c0_i32_1 = arith.constant 0 : i32
    return %c0_i32, %c0_i32_0 : i32, i32
  }
  func.func @transform_2(%arg0: i32) -> (i32, i32) {
    %c0_i32 = arith.constant 0 : i32
    %c0_i32_0 = arith.constant 0 : i32
    %c0_i32_1 = arith.constant 0 : i32
    return %c0_i32, %c0_i32_0 : i32, i32
  }
  func.func @transform_3(%arg0: i32) -> (i32, i32) {
    %c0_i32 = arith.constant 0 : i32
    %c0_i32_0 = arith.constant 0 : i32
    %c0_i32_1 = arith.constant 0 : i32
    return %c0_i32, %c0_i32_0 : i32, i32
  }
  func.func @transform_4(%arg0: i32) -> (i32, i32) {
    %c0_i32 = arith.constant 0 : i32
    %c0_i32_0 = arith.constant 0 : i32
    return %arg0, %c0_i32 : i32, i32
  }
}

module attributes {stable_mosaic.version = 14 : i64} {
  func.func @_stage_c_body(%arg0: memref<2x10240xf32, #tpu.memory_space<vmem>>, %arg1: memref<1x1xf32, #tpu.memory_space<vmem>>, %arg2: memref<1x1xf32, #tpu.memory_space<vmem>>) attributes {dimension_semantics = [], scalar_prefetch = 0 : i64, scratch_operands = 0 : i64, tpu.core_type = #tpu.core_type<tc>} {
    %get3A = arith.constant 0 : index
    %get3A_0 = arith.constant 0 : index
    %get3A_1 = vector.load %arg0[%get3A, %get3A_0] : memref<2x10240xf32, #tpu.memory_space<vmem>>, vector<2x10240xf32>
    %slice3A = vector.extract_strided_slice %get3A_1 {offsets = [0, 0], sizes = [1, 10240], strides = [1, 1]} : vector<2x10240xf32> to vector<1x10240xf32>
    %slice3A_2 = vector.extract_strided_slice %get3A_1 {offsets = [1, 0], sizes = [1, 10240], strides = [1, 1]} : vector<2x10240xf32> to vector<1x10240xf32>
    %add3A = arith.addf %slice3A, %slice3A_2 : vector<1x10240xf32>
    %get3A_3 = arith.constant 0 : index
    %get3A_4 = arith.constant 0 : index
    %get3A_5 = vector.load %arg1[%get3A_3, %get3A_4] : memref<1x1xf32, #tpu.memory_space<vmem>>, vector<1x1xf32>
    %get3A_6 = vector.extract %get3A_5[0, 0] : f32 from vector<1x1xf32>
    %add3A_7 = vector.broadcast %get3A_6 : f32 to vector<1x10240xf32>
    %add3A_8 = arith.addf %add3A, %add3A_7 : vector<1x10240xf32>
    %sin3A = math.sin %add3A_8 : vector<1x10240xf32>
    %iota3A = tpu.iota {dimensions = array<i32: 1>} : vector<1x10240xi32>
    %lt3A = arith.constant 10000 : i32
    %lt3A_9 = vector.broadcast %lt3A : i32 to vector<1x10240xi32>
    %lt3A_10 = arith.cmpi slt, %iota3A, %lt3A_9 : vector<1x10240xi32>
    %mul3A = arith.mulf %sin3A, %sin3A : vector<1x10240xf32>
    %jit3A = arith.constant 0.000000e+00 : f32
    %broadcast_in_dim3A = vector.broadcast %jit3A : f32 to vector<1x10240xf32>
    %select_n3A = arith.select %lt3A_10, %mul3A, %broadcast_in_dim3A : vector<1x10240xi1>, vector<1x10240xf32>
    %reduce_sum3A = vector.shape_cast %select_n3A : vector<1x10240xf32> to vector<1x1x10240xf32>
    %reduce_sum3A_11 = arith.constant dense<0.000000e+00> : vector<1xf32>
    %reduce_sum3A_12 = vector.multi_reduction <add>, %reduce_sum3A, %reduce_sum3A_11 [1, 2] : vector<1x1x10240xf32> to vector<1xf32>
    %reduce_sum3A_13 = vector.shape_cast %reduce_sum3A_12 : vector<1xf32> to vector<1x1x1xf32>
    %reduce_sum3A_14 = vector.extract %reduce_sum3A_13[0, 0, 0] : f32 from vector<1x1x1xf32>
    %sqrt3A = math.sqrt %reduce_sum3A_14 : f32
    %reshape3A = vector.broadcast %sqrt3A : f32 to vector<1x1xf32>
    %swap3A = arith.constant 0 : index
    %swap3A_15 = arith.constant 0 : index
    %swap3A_16 = vector.load %arg2[%swap3A, %swap3A_15] : memref<1x1xf32, #tpu.memory_space<vmem>>, vector<1x1xf32>
    tpu.vector_store %arg2[%swap3A, %swap3A_15], %reshape3A {strides = array<i32>} : memref<1x1xf32, #tpu.memory_space<vmem>>, vector<1x1xf32>,
    return
  }
}

</mosaic_0001>

<sc_bundles>
// kernel: kernel.5.cloned.1.call-start
scs
__scs_entry_jumppad:
0x0: {  	(pc) =	sbr.rel $0x88, $3  }
0x1: {  	(tag) =	ssettag $0x0;
	lr =	simm.s32 $0x1  }
0x2: {  	[smem:$0x3F9A] =	sst lr;
	_ =	strace $0xD0000000  }
0x3: {  	_ = 	snop  }
0x4: {  	_ = 	snop  }
0x5: {  	_ = 	snop  }
0x6: {  	_ = 	snop  }
0x7: {  	_ = 	snop  }
__scs_overlays_trampoline_lowered:
0x8: {  	[smem:$0x3FA9] =	sst s0  }
0x9: {  	[smem:$0x3FAA] =	sst s1  }
0xa: {  	[smem:$0x3FAB] =	sst s2  }
0xb: {  	[smem:$0x3FAC] =	sst s3  }
0xc: {  	[smem:$0x3FAD] =	sst s4  }
0xd: {  	[smem:$0x3FAE] =	sst s5  }
0xe: {  	[smem:$0x3FAF] =	sst s6  }
0xf: {  	[smem:$0x3FB0] =	sst s7  }
0x10: {  	[smem:$0x3FB1] =	sst s8  }
0x11: {  	[smem:$0x3FB2] =	sst s9;
	s0 =	simm.s32 @!p0 $0x0  }
0x12: {  	s1 =	sld [smem:$0x3F98];
	s0 =	simm.s32 @p0 $0x1  }
0x13: {  	[smem:$0x3FB3] =	sst s0;
	s0 =	simm.s32 @!p1 $0x0  }
0x14: {  	s2 =	sld [smem:$0x3F97];
	s0 =	simm.s32 @p1 $0x1  }
0x15: {  	[smem:$0x3FB4] =	sst s0;
	s0 =	simm.s32 @!p2 $0x0  }
0x16: {  	s3 =	sld [smem:$0x3FDB];
	s0 =	simm.s32 @p2 $0x1  }
0x17: {  	s4 =	simm.s32 $0x1BF5;
	[smem:$0x3FB6] =	sst s0  }
0x18: {  	s0 =	sld [smem:$0x3F99];
	_ =	swait.ge [sflag:s4], $0x0  }
0x19: {  	s7 =	sld [smem:$0x3F9A]  }
0x1a: {  	s8 =	sadd.s32 $0xFFFFE003, lr  }
0x1b: {  	s9 =	sadd.s32 $0xFFFFFEF7, lr;
	s5 =	simm.s32 $0xFFFFFFFF;
	p2 =	slt.u32 s8, $0xFFFFF086  }
0x1c: {  	p1 =	slt.u32 s9, $0xF7A;
	s5 =	simm.s32 @!p2 $0x0  }
0x1d: {  	s5 =	simm.s32 @p1 $0x1;
	p0 =	seq.s32 s7, s2  }
0x1e: {  	s7 =	smul.u32 @!p0 $0xF7A, s2;
	p2 =	seq.s32 @!p0 s5, $0x0  }
0x1f: {  	s9 =	smul.u32 $0xF7A, s1;
	s8 =	simm.s32 @!p0 $0x1BF5;
	p2 =	por !p2, p0  }
0x20: {  	[sflag:s8] =	ssyncset.s32 @!p0 $0xFFFFF086;
	s6 =	sadd.s32 @!p0 s3, s7;
	s7 =	simm.s32 @!p0 $0x108  }
0x21: {  	s3 =	sadd.s32 s3, s9;
	s6 =	sadd.s32 @!p0 $0x88, s6;
	s7 =	simm.s32 @p2 $0x1082  }
0x22: {  	[simem:s7], [sflag:s8] =	dma.local @!p0 [hbm:s6], $0xF7A  }
0x23: {  	s9 =	sor.u32 $0xD0000000, s2;
	s6 =	simm.s32 $0x108;
	_ =	swait.ge @!p0 [sflag:s8], $0x0  }
0x24: {  	s3 =	sadd.s32 $0x88, s3;
	s6 =	simm.s32 @!p1 $0x1082;
	[sflag:s4] =	ssyncset.s32 $0xFFFFF086  }
0x25: {  	[simem:s6], [sflag:s4] =	dma.local [hbm:s3], $0xF7A  }
0x26: {  	[smem:$0x3F9A] =	sst s1;
	(tag) =	ssettag s2;
	_ =	strace s9  }
0x27: {  	s1 =	sld [smem:$0x3FAA]  }
0x28: {  	s2 =	sld [smem:$0x3FAB]  }
0x29: {  	s4 =	sld [smem:$0x3FAD]  }
0x2a: {  	p0 =	seq.s32 s5, $0x0;
	s5 =	sld [smem:$0x3FAE]  }
0x2b: {  	s6 =	sld [smem:$0x3FAF]  }
0x2c: {  	s7 =	sld [smem:$0x3FB0]  }
0x2d: {  	s3 =	simm.s32 $0x108;
	s8 =	sld [smem:$0x3FB1]  }
0x2e: {  	s3 =	simm.s32 @!p0 $0x1082;
	s9 =	sld [smem:$0x3FB2]  }
0x2f: {  	lr =	sadd.s32 s0, s3;
	s0 =	sld [smem:$0x3FA9]  }
0x30: {  	s3 =	sld [smem:$0x3FAC]  }
0x31: {  	[smem:$0x3FB5] =	sst s10  }
0x32: {  	s10 =	sld [smem:$0x3FB3];
	_ =	sdelay $0x3  }
0x33: {  	p0 =	seq.s32 s10, $0x1;
	s10 =	sld [smem:$0x3FB5];
	_ =	sdelay $0x3  }
0x34: {  	[smem:$0x3FB5] =	sst s10  }
0x35: {  	s10 =	sld [smem:$0x3FB4];
	_ =	sdelay $0x3  }
0x36: {  	p1 =	seq.s32 s10, $0x1;
	s10 =	sld [smem:$0x3FB5];
	_ =	sdelay $0x3  }
0x37: {  	[smem:$0x3FB5] =	sst s10  }
0x38: {  	s10 =	sld [smem:$0x3FB6]  }
0x39: {  	_ = 	snop;
	(pc) =	sbr.ind lr, $3  }
0x3a: {  	_ = 	snop  }
0x3b: {  	_ = 	snop  }
0x3c: {  	p2 =	seq.s32 s10, $0x1;
	s10 =	sld [smem:$0x3FB5]  }
0x3d: {  	_ =	shalt  }
0x3e: {  	_ =	shalt  }
0x3f: {  	_ =	shalt  }
0x40: {  	_ =	shalt  }
0x41: {  	_ =	shalt  }
0x42: {  	_ =	shalt  }
0x43: {  	_ =	shalt  }
0x44: {  	_ =	shalt  }
0x45: {  	_ =	shalt  }
0x46: {  	_ =	shalt  }
0x47: {  	_ =	shalt  }
0x48: {  	_ =	shalt  }
0x49: {  	_ =	shalt  }
0x4a: {  	_ =	shalt  }
0x4b: {  	_ =	shalt  }
0x4c: {  	_ =	shalt  }
0x4d: {  	_ =	shalt  }
0x4e: {  	_ =	shalt  }
0x4f: {  	_ =	shalt  }
0x50: {  	_ =	shalt  }
0x51: {  	_ =	shalt  }
0x52: {  	_ =	shalt  }
0x53: {  	_ =	shalt  }
0x54: {  	_ =	shalt  }
0x55: {  	_ =	shalt  }
0x56: {  	_ =	shalt  }
0x57: {  	_ =	shalt  }
0x58: {  	_ =	shalt  }
0x59: {  	_ =	shalt  }
0x5a: {  	_ =	shalt  }
0x5b: {  	_ =	shalt  }
0x5c: {  	_ =	shalt  }
0x5d: {  	_ =	shalt  }
0x5e: {  	_ =	shalt  }
0x5f: {  	_ =	shalt  }
0x60: {  	_ =	shalt  }
0x61: {  	_ =	shalt  }
0x62: {  	_ =	shalt  }
0x63: {  	_ =	shalt  }
0x64: {  	_ =	shalt  }
0x65: {  	_ =	shalt  }
0x66: {  	_ =	shalt  }
0x67: {  	_ =	shalt  }
0x68: {  	_ =	shalt  }
0x69: {  	_ =	shalt  }
0x6a: {  	_ =	shalt  }
0x6b: {  	_ =	shalt  }
0x6c: {  	_ =	shalt  }
0x6d: {  	_ =	shalt  }
0x6e: {  	_ =	shalt  }
0x6f: {  	_ =	shalt  }
0x70: {  	_ =	shalt  }
0x71: {  	_ =	shalt  }
0x72: {  	_ =	shalt  }
0x73: {  	_ =	shalt  }
0x74: {  	_ =	shalt  }
0x75: {  	_ =	shalt  }
0x76: {  	_ =	shalt  }
0x77: {  	_ =	shalt  }
0x78: {  	_ =	shalt  }
0x79: {  	_ =	shalt  }
0x7a: {  	_ =	shalt  }
0x7b: {  	_ =	shalt  }
0x7c: {  	_ =	shalt  }
0x7d: {  	_ =	shalt  }
0x7e: {  	_ =	shalt  }
0x7f: {  	_ =	shalt  }
0x80: {  	_ =	shalt  }
0x81: {  	_ =	shalt  }
0x82: {  	_ =	shalt  }
0x83: {  	_ =	shalt  }
0x84: {  	_ =	shalt  }
0x85: {  	_ =	shalt  }
0x86: {  	_ =	shalt  }
0x87: {  	_ =	shalt  }
.Lfunc_end0:
.L_simem_size_0:
called_computation_lowered:
.L_overlay_start_0:
0x88: {  	s2 =	sld [smem:$0x3FD9]  }
0x89: {  	s3 =	sld [smem:$0x3FFE];
	_ =	sdelay $0x1  }
0x8a: {  	s1 =	srdreg.scid  }
0x8b: {  	s0 =	sand.u32 $0x1, s1  }
0x8c: {  	s16 =	sshll.u32 s0, $0xA;
	s2 =	sadd.s32 s3, s2  }
0x8d: {  	s2 =	sadd.s32 s2, s16  }
0x8e: {  	[smem:$0x3FC1] =	sst s2  }
0x8f: {  	_ = 	snop  }
0x90: {  	(tm) =	ssettm $0x1  }
0x91: {  	s17 =	sld [smem:$0x3FFB];
	_ =	sdelay $0x3  }
0x92: {  	_ =	strace s17  }
0x93: {  	s2 =	sld [smem:$0x3FFC];
	_ =	sdelay $0x3  }
0x94: {  	_ =	strace s2  }
0x95: {  	s2 =	sld [smem:$0x3FFD];
	_ =	sdelay $0x3  }
0x96: {  	_ =	strace s2  }
0x97: {  	_ =	strace $0x8FFFFFFF  }
0x98: {  	s18 =	sld [smem:$0x3FDB];
	_ =	sdelay $0x1  }
0x99: {  	s19 =	simm.s32 $_scs_section_size  }
0x9a: {  	s4 =	simm.s32 $_size__tile_overlayer_lowered;
	s5 =	simm.s32 $_tile_overlayer_lowered  }
0x9b: {  	s22 =	simm.s32 $0x1BFF;
	s21 =	sshll.u32 s5, $0x1;
	s2 =	sadd.s32 s19, s18  }
0x9c: {  	s6 =	simm.s32 $0x0;
	s20 =	sshll.u32 s4, $0x1;
	s4 =	sadd.s32 s21, s2  }
0x9d: {  	[timem:s6], [sflag:s22] =	dma.local [hbm:s4], s20  }
0x9e: {  	_ =	swait.ge [sflag:s22], s20  }
0x9f: {  	s3 =	ssub.s32 $0x0, s20;
	[sflag:s22] =	ssyncset.done $0x0  }
0xa0: {  	[sflag:s22] =	ssyncadd.s32 s3;
	_ =	sdelay $0x1  }
0xa1: {  	s23 =	simm.s32 $0x1B8B  }
0xa2: {  	_ =	swait.ge [sflag:s23], $0x1  }
0xa3: {  	[sflag:s23] =	ssyncset.done $0x0  }
0xa4: {  	s25 =	simm.s32 $0x1B8E;
	s24 =	sld [smem:$0x3FFE];
	[sflag:s23] =	ssyncadd.s32 $0xFFFFFFFF  }
0xa5: {  	s26 =	simm.s32 $execute0_lowered;
	[smem:$0x3FD2] =	sst s25  }
0xa6: {  	s4 =	sshll.u32 s26, $0x1;
	_ =	strace $0x80000046;
	[dreg:$0x1] =	wrdreg $0xFFFFFFFF  }
0xa7: {  	s28 =	simm.s32 $_size_execute0_lowered;
	s2 =	sadd.s32 s2, s4;
	[dreg:$0x0] =	wrdreg $0x0  }
0xa8: {  	s4 =	sshll.u32 s28, $0x1;
	[dreg:$0x2] =	wrdreg s2  }
0xa9: {  	[dreg:$0x3] =	wrdreg s4  }
0xaa: {  	[dreg:$0x4] =	wrdreg $0xC0  }
0xab: {  	_ =	task [dreg:s6], $0x5FFFF  }
0xac: {  	[dreg:$0x1] =	wrdreg $0xFFFFFFFF  }
0xad: {  	[dreg:$0x0] =	wrdreg $0x60  }
0xae: {  	[dreg:$0x2] =	wrdreg s24  }
0xaf: {  	[dreg:$0x3] =	wrdreg $0xC9000  }
0xb0: {  	[dreg:$0x4] =	wrdreg $0x9  }
0xb1: {  	_ =	task.clear_ibuf [dreg:s6], $0x5FFFF;
	_ =	strace $0x90000046  }
0xb2: {  	s29 =	simm.s32 $0x9;
	_ =	strace $0x80000048  }
0xb3: {  	_ =	swait.ge [sflag:s29], $0x1  }
0xb4: {  	[sflag:s29] =	ssyncadd.s32 $0xFFFFFFFF  }
0xb5: {  	_ =	strace $0x90000048  }
0xb6: {  	_ =	sfence  }
0xb7: {  	s30 =	sld [smem:$0x0];
	_ =	sdelay $0x2  }
0xb8: {  	s31 =	sshll.u32 s1, $0xD;
	s1 =	sshrl.u32 s1, $0x2  }
0xb9: {  	s3 =	sand.u32 $0x4000, s31;
	s1 =	sadd.s32 s1, s30  }
0xba: {  	s0 =	sor.u32 s3, s0;
	s1 =	sshll.u32 s1, $0x11  }
0xbb: {  	s0 =	sor.u32 s1, s0  }
0xbc: {  	s0 =	sadd.s32 $0x8F2B, s0  }
0xbd: {  	[sflag:s0] =	ssyncadd.remote.s32 $0x1  }
0xbe: {  	_ =	sfence.sel $0xFFFF  }
0xbf: {  	[dreg:$0x0] =	wrdreg $0xFFFFFFFF;
	(pc) =	sbr.abs _section_cstart, $3  }
0xc0: {  	[dreg:$0x1] =	wrdreg $0xFFFFFFFF  }
0xc1: {  	_ =	task.clear_ibuf [dreg:s6], $0x2FFFF;
	_ =	strace $0x9FFFFFFF  }
0xc2: {  	(tm) =	ssettm $0x7FFFFFFF  }
0xc3: {  	_ =	shalt  }
tec
execute0_lowered:
.L_overlay_start_1:
0x0: {  	(tag) =	ssettag $0x1  }
0x1: {  	s0 =	srdreg.scid;
	s5 =	rddreg [dreg:$0x0]  }
0x2: {  	s2 =	rddreg [dreg:$0x1];
	s1 =	stileid.u32;
	s3 =	simm.s32 $0x0  }
0x3: {  	s12 =	simm.s32 $0x1;
	s13 =	simm.s32 $0x2800;
	s14 =	simm.s32 $0x7780  }
0x4: {  	s15 =	simm.s32 $0x4F80;
	s16 =	simm.s32 $0x80;
	s19 =	simm.s32 $0x20  }
0x5: {  	s20 =	simm.s32 $0x10;
	s6 =	sand.u32 $0x1, s0;
	s0 =	rddreg [dreg:$0x2]  }
0x6: {  	s21 =	simm.s32 $0x0;
	[smem:$0x7FF] =	sst s3;
	s9 =	smul.u32 $0x500, s1  }
0x7: {  	s30 =	smul.u32 $0xA00, s1;
	s17 =	sshll.u32 s1, $0x6;
	s4 =	sshll.u32 s6, $0x4  }
0x8: {  	_ =	strace $0x80000047;
	s10 =	sshll.u32 s6, $0x7;
	s6 =	ssub.s32 $0x2, s6  }
0x9: {  	s17 =	sor.u32 $0x1C01, s17;
	s7 =	sor.u32 s1, s4;
	s4 =	sadd.s32 $0x1E400, s5  }
0xa: {  	s9 =	sor.u32 s10, s9;
	s11 =	sshrl.u32 s6, $0x1;
	s8 =	smul.u32 $0x500, s7  }
0xb: {  	s7 =	smul.u32 $0x4F0, s7;
	s9 =	sshrl.u32 s9, $0x3;
	s11 =	ssub.s32 s6, s11  }
0xc: {  	s31 =	sshrl.u32 s30, $0x2;
	s9 =	sadd.s32 s9, s5;
	s10 =	smax.u32 s11, $0x1  }
0xd: {  	s11 =	simm.s32 $0xC680;
	s8 =	sadd.s32 s8, s5;
	s7 =	sadd.s32 s7, s5  }
0xe: {  	s5 =	sadd.s32 s31, s2;
	s9 =	sadd.s32 $0x1EA00, s9;
	s6 =	sadd.s32 $0x800, s7  }
0xf: {  	v0 =	vimm.f32 $0.0e+00;
	s7 =	sadd.s32 $0x14600, s7;
	s8 =	sadd.s32 $0xA600, s8;
	s18 =	sshrl.u32 s5, $0x3  }
.LBB2_1:
0x10: {  	[tilespmem:$0xC680] =	vst v0  }
0x11: {  	[tilespmem:$0xC690] =	vst v0  }
0x12: {  	[tilespmem:$0xC6A0] =	vst v0  }
0x13: {  	[tilespmem:$0xC6B0] =	vst v0  }
0x14: {  	[tilespmem:$0xC6C0] =	vst v0  }
0x15: {  	[tilespmem:$0xC6D0] =	vst v0  }
0x16: {  	[tilespmem:$0xC6E0] =	vst v0  }
0x17: {  	[tilespmem:$0xC6F0] =	vst v0  }
0x18: {  	[tilespmem:$0xC700] =	vst v0  }
0x19: {  	[tilespmem:$0xC710] =	vst v0  }
0x1a: {  	[tilespmem:$0xC720] =	vst v0  }
0x1b: {  	[tilespmem:$0xC730] =	vst v0  }
0x1c: {  	[tilespmem:$0xC740] =	vst v0  }
0x1d: {  	[tilespmem:$0xC750] =	vst v0  }
0x1e: {  	[tilespmem:$0xC760] =	vst v0  }
0x1f: {  	[tilespmem:$0xC770] =	vst v0  }
0x20: {  	[tilespmem:$0xC780] =	vst v0  }
0x21: {  	[tilespmem:$0xC790] =	vst v0  }
0x22: {  	[tilespmem:$0xC7A0] =	vst v0  }
0x23: {  	[tilespmem:$0xC7B0] =	vst v0  }
0x24: {  	[tilespmem:$0xC7C0] =	vst v0  }
0x25: {  	[tilespmem:$0xC7D0] =	vst v0  }
0x26: {  	[tilespmem:$0xC7E0] =	vst v0  }
0x27: {  	[tilespmem:$0xC7F0] =	vst v0  }
0x28: {  	[tilespmem:$0xC800] =	vst v0  }
0x29: {  	[tilespmem:$0xC810] =	vst v0  }
0x2a: {  	[tilespmem:$0xC820] =	vst v0  }
0x2b: {  	[tilespmem:$0xC830] =	vst v0  }
0x2c: {  	[tilespmem:$0xC840] =	vst v0  }
0x2d: {  	[tilespmem:$0xC850] =	vst v0  }
0x2e: {  	[tilespmem:$0xC860] =	vst v0  }
0x2f: {  	[tilespmem:$0xC870] =	vst v0  }
0x30: {  	[tilespmem:$0xC880] =	vst v0  }
0x31: {  	[tilespmem:$0xC890] =	vst v0  }
0x32: {  	[tilespmem:$0xC8A0] =	vst v0  }
0x33: {  	[tilespmem:$0xC8B0] =	vst v0  }
0x34: {  	[tilespmem:$0xC8C0] =	vst v0  }
0x35: {  	[tilespmem:$0xC8D0] =	vst v0  }
0x36: {  	[tilespmem:$0xC8E0] =	vst v0  }
0x37: {  	[tilespmem:$0xC8F0] =	vst v0  }
0x38: {  	[spmem:s5] =	stream.linear.scatter [tilespmem:s11], [sflag:$0x1], $0x280, $0x38;
	[tilespmem:$0xCB80] =	vst v63  }
0x39: {  	_ =	swait.ge [sflag:s12], $0x280  }
0x3a: {  	[sflag:s12] =	ssyncset.done $0x0  }
0x3b: {  	[sflag:s12] =	ssyncadd.s32 $0xFFFFFD80  }
0x3c: {  	[tilespmem:s3], [sflag:$0x1] =	stream.linear.gather [hbm4b:s4+s3], $0x2800, $0x38;
	[tilespmem:$0xCB80] =	vst v63  }
0x3d: {  	_ =	swait.ge [sflag:s12], $0x2800  }
0x3e: {  	[sflag:s12] =	ssyncset.done $0x0  }
0x3f: {  	[sflag:s12] =	ssyncadd.s32 $0xFFFFD800  }
0x40: {  	[tilespmem:s13], [sflag:$0x1] =	stream.linear.gather [hbm4b:s6+s3], $0x2780, $0x38;
	[tilespmem:$0xCB80] =	vst v63  }
0x41: {  	_ =	swait.ge [sflag:s12], $0x2780  }
0x42: {  	[sflag:s12] =	ssyncset.done $0x0  }
0x43: {  	[sflag:s12] =	ssyncadd.s32 $0xFFFFD880  }
0x44: {  	[tilespmem:s14], [sflag:$0x1] =	stream.linear.gather [hbm4b:s7+s3], $0x2780, $0x38;
	[tilespmem:$0xCB80] =	vst v63  }
0x45: {  	_ =	swait.ge [sflag:s12], $0x2780  }
0x46: {  	[sflag:s12] =	ssyncset.done $0x0  }
0x47: {  	[sflag:s12] =	ssyncadd.s32 $0xFFFFD880  }
0x48: {  	[tilespmem:s15], [sflag:$0x1] =	stream.linear.gather [hbm4b:s8+s3], $0x2780, $0x38;
	[tilespmem:$0xCB80] =	vst v63  }
0x49: {  	_ =	swait.ge [sflag:s12], $0x2780  }
0x4a: {  	[sflag:s12] =	ssyncset.done $0x0  }
0x4b: {  	s22 =	simm.s32 $0x0;
	[sflag:s12] =	ssyncadd.s32 $0xFFFFD880  }
0x4c: {  	v2 =	vld [tilespmem:s22+$0x2800];
	_ =	sdelay $0x6  }
0x4d: {  	v1 =	vld [tilespmem:s22+$0x7780]  }
0x4e: {  	s23 =	simm.s32 $0x10;
	s24 =	simm.s32 $0x80;
	v2 =	vld.idx.msk [tilespmem:v2+s3+$0x0], $0xffff  }
.LBB2_2:
0x4f: {  	p0 =	sne.s32 s24, $0x9DC0;
	v3 =	vld [tilespmem:s23+$0x2800];
	_ =	sdelay $0x3  }
.Ltmp0:
0x50: {  	(pc) =	sbr.rel @p0 .LBB2_2-.Ltmp0, $3  }
0x51: {  	v2 =	vmul.f32 v1, v2;
	_ =	sdelay $0x1  }
0x52: {  	v1 =	vld [tilespmem:s23+$0x7780];
	[tilespmem:s22+$0x9F00] =	vst v2;
	s22 =	smov.u32 s23  }
0x53: {  	s23 =	sshra.s32 s24, $0x2;
	s24 =	sadd.s32 $0x40, s24;
	v2 =	vld.idx.msk [tilespmem:v3+s3+$0x0], $0xffff  }
0x54: {  	v3 =	vld [tilespmem:s23+$0x2800];
	_ =	sdelay $0x4  }
0x55: {  	v1 =	vmul.f32 v1, v2;
	_ =	sdelay $0x1  }
0x56: {  	v2 =	vld [tilespmem:s23+$0x7780];
	[tilespmem:s22+$0x9F00] =	vst v1  }
0x57: {  	v1 =	vld.idx.msk [tilespmem:v3+s3+$0x0], $0xffff;
	_ =	sdelay $0x4  }
0x58: {  	v1 =	vmul.f32 v2, v1;
	_ =	sdelay $0x1  }
0x59: {  	[tilespmem:s23+$0x9F00] =	vst v1  }
0x5a: {  	s30 =	simm.s32 $0x9F00;
	s31 =	simm.s32 $0x4F80;
	[bflag:$0x0] =	sbarrier.arrive $0xFFFF  }
0x5b: {  	[spmem:s2] =	stream.indirect.scatter.add.f32 [tilespmem:s30], [sflag:$0x1], $0x1, s31, s16, $0xb8;
	[tilespmem:$0xCB80] =	vst v63  }
0x5c: {  	s22 =	simm.s32 $0x200;
	_ =	swait.ge [sflag:s12], $0x80  }
.LBB2_4:
0x5d: {  	s23 =	sshra.s32 s22, $0x2  }
0x5e: {  	[sflag:s12] =	ssyncset.done $0x0;
	p0 =	sne.s32 s22, $0x9C00;
	s24 =	sadd.s32 $0x9F00, s23  }
.Ltmp1:
0x5f: {  	s23 =	sadd.s32 $0x4F80, s23;
	[sflag:s12] =	ssyncadd.s32 $0xFFFFFF80;
	(pc) =	sbr.rel @p0 .LBB2_4-.Ltmp1, $3  }
0x60: {  	[spmem:s2] =	stream.indirect.scatter.add.f32 [tilespmem:s24], [sflag:$0x1], $0x1, s23, s16, $0xb8;
	[tilespmem:$0xCB80] =	vst v63  }
0x61: {  	s22 =	sadd.s32 $0x200, s22;
	_ =	sdelay $0x1  }
0x62: {  	_ =	swait.ge [sflag:s12], $0x80  }
0x63: {  	[sflag:s12] =	ssyncset.done $0x0;
	s21 =	sadd.s32 $0x1, s21  }
0x64: {  	[sflag:s12] =	ssyncadd.s32 $0xFFFFFF80;
	p0 =	sne.s32 s21, s10  }
.Ltmp2:
0x65: {  	[bflag:$0x0] =	sbarrier.arrive $0xFFFF;
	(pc) =	sbr.rel @p0 .LBB2_1-.Ltmp2, $4  }
0x66: {  	[hbm:s9@s19], [sflag:s17] =	dma.strided [spmem:s18@s20], $0x50, s12, $0x10   }
0x67: {  	_ =	swait.ge [sflag:s12], $0x50  }
0x68: {  	[sflag:s12] =	ssyncset.done $0x0  }
0x69: {  	[sflag:s12] =	ssyncadd.s32 $0xFFFFFFB0  }
0x6a: {  	_ =	sfence.sel $0x180000  }
0x6b: {  	[bflag:$0x0] =	sbarrier.arrive $0xFFFF  }
0x6c: {  	p0 =	sne.s32 s1, $0x0;
	_ =	strace $0x90000047  }
0x6d: {  	s0 =	sadd.s32 @!p0 $0x100000, s0;
	[bflag:$0x2] =	sbarrier.arrive $0xFFFF  }
0x6e: {  	[sflag:s0] =	ssyncadd.tile.s32 @!p0 $0x1;
	_ =	shalt  }
.Lfunc_end2:
_tile_overlayer_lowered:
.L_overlay_start_2:
0x6f: {  	(tag) =	ssettag $0x2  }
0x70: {  	s0 =	rddreg [dreg:$0x0];
	s2 =	stileid.u32  }
0x71: {  	s1 =	rddreg [dreg:$0x1];
	p0 =	sne.s32 s2, $0x0  }
0x72: {  	s3 =	rddreg [dreg:$0x2];
	[bflag:$0x3] =	sbarrier.arrive $0xFFFF;
	s2 =	simm.s32 @!p0 $0x1C01  }
0x73: {  	[timem:s3], [sflag:s2] =	dma.local @!p0 [hbm:s0], s1  }
0x74: {  	s0 =	simm.s32 @!p0 $0x1  }
0x75: {  	_ =	swait.ge @!p0 [sflag:s0], s1  }
0x76: {  	s1 =	ssub.s32 @!p0 $0x0, s1;
	[sflag:s0] =	ssyncset.done @!p0 $0x0  }
0x77: {  	[sflag:s0] =	ssyncadd.s32 @!p0 s1  }
0x78: {  	[bflag:$0x3] =	sbarrier.arrive $0xFFFF  }
0x79: {  	_ =	shalt  }

</sc_bundles>
